<compile_context>
chip_gen: v7x
topology: tpu7x:2x2x1
jax: 0.10.2.dev20260603
libtpu: 0.0.44.dev20260713+nightly
codegen_flags: <defaults>
</compile_context>

<pallas_src>
import functools
import numpy as np
import jax
import jax.numpy as jnp
from jax import lax
from jax.experimental import pallas as pl
from jax.experimental.pallas import tpu as pltpu
from jax.experimental.pallas import tpu_sc as plsc

_GROUPED = np.array(
    [0, 8, 16, 24, 32, 40, 48, 56, 1, 9, 17, 25, 33, 41, 49, 57,
     2, 10, 18, 26, 34, 42, 50, 58, 3, 11, 19, 27, 35, 43, 51, 59,
     4, 12, 20, 28, 36, 44, 52, 60, 5, 13, 21, 29, 37, 45, 53, 61,
     6, 14, 22, 30, 38, 46, 54, 62, 7, 15, 23, 31, 39, 47, 55, 63],
    dtype=np.int64)
_RESTORED = _GROUPED.copy()
_PERM = _GROUPED[_RESTORED]


def _contiguous_runs(perm):
    runs = []
    n = len(perm)
    i = 0
    while i < n:
        j = i + 1
        while j < n and perm[j] == perm[j - 1] + 1:
            j += 1
        runs.append((i, int(perm[i]), j - i))
        i = j
    return runs


_RUNS = _contiguous_runs(_PERM)

_NC, _NS = 2, 16
_NW = _NC * _NS

_CB = 2
_NBUF = 2


def _sc_body(x_hbm, o_hbm, shared, *sems):
    sin = sems[:_NBUF]
    sout = sems[_NBUF:2 * _NBUF]
    cid = lax.axis_index("c")
    sid = lax.axis_index("s")
    wid = sid * _NC + cid
    nb = x_hbm.shape[0] // _NW
    b0 = wid * nb
    nchunks = nb // _CB
    ngroups = nchunks // _NBUF

    def in_dma(i, s):
        return pltpu.make_async_copy(
            x_hbm.at[pl.ds(b0 + i * _CB, _CB)], shared.at[s, sid], sin[s])

    def out_dmas(i, s):
        return [
            pltpu.make_async_copy(
                shared.at[s, sid, :, pl.ds(src, ln)],
                o_hbm.at[pl.ds(b0 + i * _CB, _CB), pl.ds(dst, ln)],
                sout[s])
            for dst, src, ln in _RUNS
        ]

    def body(g, _):
        for s in range(_NBUF):
            i = g * _NBUF + s

            @pl.when(g > 0)
            def _():
                for d in out_dmas(i - _NBUF, s):
                    d.wait()

            in_dma(i, s).start()
        for s in range(_NBUF):
            i = g * _NBUF + s
            in_dma(i, s).wait()
            for d in out_dmas(i, s):
                d.start()
        return 0

    lax.fori_loop(0, ngroups, body, 0)
    for s in range(_NBUF):
        i = (ngroups - 1) * _NBUF + s
        for d in out_dmas(i, s):
            d.wait()


def kernel(x):
    b, n, c = x.shape
    sc_copy = functools.partial(
        pl.kernel,
        mesh=plsc.VectorSubcoreMesh(core_axis_name="c", subcore_axis_name="s"),
        out_type=jax.ShapeDtypeStruct((b, n, c), x.dtype),
        scratch_types=(
            [pltpu.VMEM_SHARED((_NBUF, _NS, _CB, n, c), jnp.float32)]
            + [pltpu.SemaphoreType.DMA for _ in range(2 * _NBUF)]
        ),
    )(_sc_body)
    return sc_copy(x)

# --- scband reference (transcript-rebuilt; emitter-appended) ---
"""Pipeline reference for scband-graph-non-local-50964081935406 (READ-ONLY COPY).

The authoritative reference and input builder live on the scoring server;
editing this copy changes nothing except your own understanding.
"""

import jax, jax.numpy as jnp
import numpy as np

GROUPED_ORDER = jnp.array([0,8,16,24,32,40,48,56,1,9,17,25,33,41,49,57,2,10,18,26,34,42,50,58,3,11,19,27,35,43,51,59,4,12,20,28,36,44,52,60,5,13,21,29,37,45,53,61,6,14,22,30,38,46,54,62,7,15,23,31,39,47,55,63], dtype=jnp.int32)
RESTORED_ORDER = jnp.array([0,8,16,24,32,40,48,56,1,9,17,25,33,41,49,57,2,10,18,26,34,42,50,58,3,11,19,27,35,43,51,59,4,12,20,28,36,44,52,60,5,13,21,29,37,45,53,61,6,14,22,30,38,46,54,62,7,15,23,31,39,47,55,63], dtype=jnp.int32)


def setup_inputs(seed: int = 0) -> dict:
    key = jax.random.key(seed)
    x = jax.random.normal(key, (4096, 64, 256), dtype=jnp.float32)
    return {"x": x}


def reference(x):
    # out = x[:, grouped_order, :]
    out = jnp.take(x, GROUPED_ORDER, axis=1)
    # out = out[:, restored_order, :]
    out = jnp.take(out, RESTORED_ORDER, axis=1)
    return out

if __name__ == "__main__":
    import jax
    _d = setup_inputs()
    print(jax.jit(kernel)(*tuple(_d.values())))

</pallas_src>

<mosaic_0001>
#map = affine_map<(d0, d1) -> (0, 0, 0)>
module attributes {stable_mosaic.version = 14 : i64} {
  func.func @_sc_body(%arg0: i32, %arg1: i32, %arg2: memref<4096x64x256xf32, #tpu.memory_space<hbm>>, %arg3: memref<4096x64x256xf32, #tpu.memory_space<hbm>>, %arg4: memref<2x16x2x64x256xf32, #tpu.memory_space<vmem_shared>>, %arg5: memref<!tpu.dma_semaphore, #tpu.memory_space<semaphore_mem>>, %arg6: memref<!tpu.dma_semaphore, #tpu.memory_space<semaphore_mem>>, %arg7: memref<!tpu.dma_semaphore, #tpu.memory_space<semaphore_mem>>, %arg8: memref<!tpu.dma_semaphore, #tpu.memory_space<semaphore_mem>>) attributes {dimension_semantics = [#tpu.dimension_semantics<core_parallel>, #tpu.dimension_semantics<subcore_parallel>], iteration_bounds = array<i64: 2, 16>, scalar_prefetch = 0 : i64, scratch_operands = 5 : i64, tpu.core_type = #tpu.core_type<sc_vector_subcore>, window_params = [{transform_indices = #map}, {transform_indices = #map}]} {
    %mul3A = arith.constant 2 : i32
    %mul3A_0 = arith.muli %arg1, %mul3A : i32
    %add3A = arith.addi %mul3A_0, %arg0 : i32
    %mul3A_1 = arith.constant 128 : i32
    %mul3A_2 = arith.muli %add3A, %mul3A_1 : i32
    %scan3A = arith.constant 0 : i32
    %scan3A_3 = arith.constant 0 : i32
    %scan3A_4 = arith.constant 32 : i32
    %scan3A_5 = arith.addi %scan3A_3, %scan3A_4 : i32
    %scan3A_6 = arith.constant 1 : i32
    %scan3A_7 = scf.for %scan3A_30 = %scan3A_3 to %scan3A_5 step %scan3A_6 iter_args(%scan3A_31 = %scan3A) -> (i32)  : i32 {
      %mul3A_32 = arith.constant 2 : i32
      %mul3A_33 = arith.muli %scan3A_30, %mul3A_32 : i32
      %add3A_34 = arith.constant 0 : i32
      %add3A_35 = arith.addi %mul3A_33, %add3A_34 : i32
      %gt3A = arith.constant 0 : i32
      %gt3A_36 = arith.cmpi sgt, %scan3A_30, %gt3A : i32
      %convert_element_type3A = arith.extui %gt3A_36 : i1 to i32
      %cond3A = arith.constant 0 : i32
      %cond3A_37 = arith.cmpi ne, %convert_element_type3A, %cond3A : i32
      scf.if %cond3A_37 {
        %sub3A = arith.constant 2 : i32
        %sub3A_127 = arith.subi %add3A_35, %sub3A : i32
        %mul3A_128 = arith.constant 2 : i32
        %mul3A_129 = arith.muli %sub3A_127, %mul3A_128 : i32
        %add3A_130 = arith.addi %mul3A_2, %mul3A_129 : i32
        %dma_wait3A_131 = arith.constant 0 : i32
        %dma_wait3A_132 = arith.constant 0 : i32
        %dma_wait3A_133 = arith.constant 0 : i32
        %dma_wait3A_134 = tpu.memref_slice %arg3[%add3A_130, %dma_wait3A_132, %dma_wait3A_133] : memref<4096x64x256xf32, #tpu.memory_space<hbm>> -> memref<2x64x256xf32, #tpu.memory_space<hbm>>
        %dma_wait3A_135 = arith.constant 0 : i32
        %dma_wait3A_136 = arith.constant 0 : i32
        %dma_wait3A_137 = arith.constant 0 : i32
        %dma_wait3A_138 = tpu.memref_slice %arg4[%dma_wait3A_131, %arg1, %dma_wait3A_135, %dma_wait3A_136, %dma_wait3A_137] : memref<2x16x2x64x256xf32, #tpu.memory_space<vmem_shared>> -> memref<1x1x2x64x256xf32, #tpu.memory_space<vmem_shared>>
        %dma_wait3A_139 = tpu.memref_squeeze %dma_wait3A_138 : memref<1x1x2x64x256xf32, #tpu.memory_space<vmem_shared>> -> memref<2x64x256xf32, #tpu.memory_space<vmem_shared>>
        tpu.wait_dma2 semaphore(%arg7 : memref<!tpu.dma_semaphore, #tpu.memory_space<semaphore_mem>>) src(%dma_wait3A_139 : memref<2x64x256xf32, #tpu.memory_space<vmem_shared>>) dst(%dma_wait3A_134 : memref<2x64x256xf32, #tpu.memory_space<hbm>>)
      } else {
      }
      %mul3A_38 = arith.constant 2 : i32
      %mul3A_39 = arith.muli %add3A_35, %mul3A_38 : i32
      %add3A_40 = arith.addi %mul3A_2, %mul3A_39 : i32
      %dma_start3A = arith.constant 0 : i32
      %dma_start3A_41 = arith.constant 0 : i32
      %dma_start3A_42 = arith.constant 0 : i32
      %dma_start3A_43 = arith.constant 0 : i32
      %dma_start3A_44 = tpu.memref_slice %arg4[%dma_start3A, %arg1, %dma_start3A_41, %dma_start3A_42, %dma_start3A_43] : memref<2x16x2x64x256xf32, #tpu.memory_space<vmem_shared>> -> memref<1x1x2x64x256xf32, #tpu.memory_space<vmem_shared>>
      %dma_start3A_45 = tpu.memref_squeeze %dma_start3A_44 : memref<1x1x2x64x256xf32, #tpu.memory_space<vmem_shared>> -> memref<2x64x256xf32, #tpu.memory_space<vmem_shared>>
      %dma_start3A_46 = arith.constant 0 : i32
      %dma_start3A_47 = arith.constant 0 : i32
      %dma_start3A_48 = tpu.memref_slice %arg2[%add3A_40, %dma_start3A_46, %dma_start3A_47] : memref<4096x64x256xf32, #tpu.memory_space<hbm>> -> memref<2x64x256xf32, #tpu.memory_space<hbm>>
      tpu.enqueue_dma source(%dma_start3A_48 : memref<2x64x256xf32, #tpu.memory_space<hbm>>) target(%dma_start3A_45 : memref<2x64x256xf32, #tpu.memory_space<vmem_shared>>) target_semaphore(%arg5 : memref<!tpu.dma_semaphore, #tpu.memory_space<semaphore_mem>>)
      %mul3A_49 = arith.constant 2 : i32
      %mul3A_50 = arith.muli %scan3A_30, %mul3A_49 : i32
      %add3A_51 = arith.constant 1 : i32
      %add3A_52 = arith.addi %mul3A_50, %add3A_51 : i32
      %gt3A_53 = arith.constant 0 : i32
      %gt3A_54 = arith.cmpi sgt, %scan3A_30, %gt3A_53 : i32
      %convert_element_type3A_55 = arith.extui %gt3A_54 : i1 to i32
      %cond3A_56 = arith.constant 0 : i32
      %cond3A_57 = arith.cmpi ne, %convert_element_type3A_55, %cond3A_56 : i32
      scf.if %cond3A_57 {
        %sub3A = arith.constant 2 : i32
        %sub3A_127 = arith.subi %add3A_52, %sub3A : i32
        %mul3A_128 = arith.constant 2 : i32
        %mul3A_129 = arith.muli %sub3A_127, %mul3A_128 : i32
        %add3A_130 = arith.addi %mul3A_2, %mul3A_129 : i32
        %dma_wait3A_131 = arith.constant 1 : i32
        %dma_wait3A_132 = arith.constant 0 : i32
        %dma_wait3A_133 = arith.constant 0 : i32
        %dma_wait3A_134 = tpu.memref_slice %arg3[%add3A_130, %dma_wait3A_132, %dma_wait3A_133] : memref<4096x64x256xf32, #tpu.memory_space<hbm>> -> memref<2x64x256xf32, #tpu.memory_space<hbm>>
        %dma_wait3A_135 = arith.constant 0 : i32
        %dma_wait3A_136 = arith.constant 0 : i32
        %dma_wait3A_137 = arith.constant 0 : i32
        %dma_wait3A_138 = tpu.memref_slice %arg4[%dma_wait3A_131, %arg1, %dma_wait3A_135, %dma_wait3A_136, %dma_wait3A_137] : memref<2x16x2x64x256xf32, #tpu.memory_space<vmem_shared>> -> memref<1x1x2x64x256xf32, #tpu.memory_space<vmem_shared>>
        %dma_wait3A_139 = tpu.memref_squeeze %dma_wait3A_138 : memref<1x1x2x64x256xf32, #tpu.memory_space<vmem_shared>> -> memref<2x64x256xf32, #tpu.memory_space<vmem_shared>>
        tpu.wait_dma2 semaphore(%arg8 : memref<!tpu.dma_semaphore, #tpu.memory_space<semaphore_mem>>) src(%dma_wait3A_139 : memref<2x64x256xf32, #tpu.memory_space<vmem_shared>>) dst(%dma_wait3A_134 : memref<2x64x256xf32, #tpu.memory_space<hbm>>)
      } else {
      }
      %mul3A_58 = arith.constant 2 : i32
      %mul3A_59 = arith.muli %add3A_52, %mul3A_58 : i32
      %add3A_60 = arith.addi %mul3A_2, %mul3A_59 : i32
      %dma_start3A_61 = arith.constant 1 : i32
      %dma_start3A_62 = arith.constant 0 : i32
      %dma_start3A_63 = arith.constant 0 : i32
      %dma_start3A_64 = arith.constant 0 : i32
      %dma_start3A_65 = tpu.memref_slice %arg4[%dma_start3A_61, %arg1, %dma_start3A_62, %dma_start3A_63, %dma_start3A_64] : memref<2x16x2x64x256xf32, #tpu.memory_space<vmem_shared>> -> memref<1x1x2x64x256xf32, #tpu.memory_space<vmem_shared>>
      %dma_start3A_66 = tpu.memref_squeeze %dma_start3A_65 : memref<1x1x2x64x256xf32, #tpu.memory_space<vmem_shared>> -> memref<2x64x256xf32, #tpu.memory_space<vmem_shared>>
      %dma_start3A_67 = arith.constant 0 : i32
      %dma_start3A_68 = arith.constant 0 : i32
      %dma_start3A_69 = tpu.memref_slice %arg2[%add3A_60, %dma_start3A_67, %dma_start3A_68] : memref<4096x64x256xf32, #tpu.memory_space<hbm>> -> memref<2x64x256xf32, #tpu.memory_space<hbm>>
      tpu.enqueue_dma source(%dma_start3A_69 : memref<2x64x256xf32, #tpu.memory_space<hbm>>) target(%dma_start3A_66 : memref<2x64x256xf32, #tpu.memory_space<vmem_shared>>) target_semaphore(%arg6 : memref<!tpu.dma_semaphore, #tpu.memory_space<semaphore_mem>>)
      %mul3A_70 = arith.constant 2 : i32
      %mul3A_71 = arith.muli %scan3A_30, %mul3A_70 : i32
      %add3A_72 = arith.constant 0 : i32
      %add3A_73 = arith.addi %mul3A_71, %add3A_72 : i32
      %mul3A_74 = arith.constant 2 : i32
      %mul3A_75 = arith.muli %add3A_73, %mul3A_74 : i32
      %add3A_76 = arith.addi %mul3A_2, %mul3A_75 : i32
      %dma_wait3A_77 = arith.constant 0 : i32
      %dma_wait3A_78 = arith.constant 0 : i32
      %dma_wait3A_79 = arith.constant 0 : i32
      %dma_wait3A_80 = arith.constant 0 : i32
      %dma_wait3A_81 = tpu.memref_slice %arg4[%dma_wait3A_77, %arg1, %dma_wait3A_78, %dma_wait3A_79, %dma_wait3A_80] : memref<2x16x2x64x256xf32, #tpu.memory_space<vmem_shared>> -> memref<1x1x2x64x256xf32, #tpu.memory_space<vmem_shared>>
      %dma_wait3A_82 = tpu.memref_squeeze %dma_wait3A_81 : memref<1x1x2x64x256xf32, #tpu.memory_space<vmem_shared>> -> memref<2x64x256xf32, #tpu.memory_space<vmem_shared>>
      %dma_wait3A_83 = arith.constant 0 : i32
      %dma_wait3A_84 = arith.constant 0 : i32
      %dma_wait3A_85 = tpu.memref_slice %arg2[%add3A_76, %dma_wait3A_83, %dma_wait3A_84] : memref<4096x64x256xf32, #tpu.memory_space<hbm>> -> memref<2x64x256xf32, #tpu.memory_space<hbm>>
      tpu.wait_dma2 semaphore(%arg5 : memref<!tpu.dma_semaphore, #tpu.memory_space<semaphore_mem>>) src(%dma_wait3A_85 : memref<2x64x256xf32, #tpu.memory_space<hbm>>) dst(%dma_wait3A_82 : memref<2x64x256xf32, #tpu.memory_space<vmem_shared>>)
      %mul3A_86 = arith.constant 2 : i32
      %mul3A_87 = arith.muli %add3A_73, %mul3A_86 : i32
      %add3A_88 = arith.addi %mul3A_2, %mul3A_87 : i32
      %dma_start3A_89 = arith.constant 0 : i32
      %dma_start3A_90 = arith.constant 0 : i32
      %dma_start3A_91 = arith.constant 0 : i32
      %dma_start3A_92 = tpu.memref_slice %arg3[%add3A_88, %dma_start3A_90, %dma_start3A_91] : memref<4096x64x256xf32, #tpu.memory_space<hbm>> -> memref<2x64x256xf32, #tpu.memory_space<hbm>>
      %dma_start3A_93 = arith.constant 0 : i32
      %dma_start3A_94 = arith.constant 0 : i32
      %dma_start3A_95 = arith.constant 0 : i32
      %dma_start3A_96 = tpu.memref_slice %arg4[%dma_start3A_89, %arg1, %dma_start3A_93, %dma_start3A_94, %dma_start3A_95] : memref<2x16x2x64x256xf32, #tpu.memory_space<vmem_shared>> -> memref<1x1x2x64x256xf32, #tpu.memory_space<vmem_shared>>
      %dma_start3A_97 = tpu.memref_squeeze %dma_start3A_96 : memref<1x1x2x64x256xf32, #tpu.memory_space<vmem_shared>> -> memref<2x64x256xf32, #tpu.memory_space<vmem_shared>>
      tpu.enqueue_dma source(%dma_start3A_97 : memref<2x64x256xf32, #tpu.memory_space<vmem_shared>>) target(%dma_start3A_92 : memref<2x64x256xf32, #tpu.memory_space<hbm>>) target_semaphore(%arg7 : memref<!tpu.dma_semaphore, #tpu.memory_space<semaphore_mem>>)
      %mul3A_98 = arith.constant 2 : i32
      %mul3A_99 = arith.muli %scan3A_30, %mul3A_98 : i32
      %add3A_100 = arith.constant 1 : i32
      %add3A_101 = arith.addi %mul3A_99, %add3A_100 : i32
      %mul3A_102 = arith.constant 2 : i32
      %mul3A_103 = arith.muli %add3A_101, %mul3A_102 : i32
      %add3A_104 = arith.addi %mul3A_2, %mul3A_103 : i32
      %dma_wait3A_105 = arith.constant 1 : i32
      %dma_wait3A_106 = arith.constant 0 : i32
      %dma_wait3A_107 = arith.constant 0 : i32
      %dma_wait3A_108 = arith.constant 0 : i32
      %dma_wait3A_109 = tpu.memref_slice %arg4[%dma_wait3A_105, %arg1, %dma_wait3A_106, %dma_wait3A_107, %dma_wait3A_108] : memref<2x16x2x64x256xf32, #tpu.memory_space<vmem_shared>> -> memref<1x1x2x64x256xf32, #tpu.memory_space<vmem_shared>>
      %dma_wait3A_110 = tpu.memref_squeeze %dma_wait3A_109 : memref<1x1x2x64x256xf32, #tpu.memory_space<vmem_shared>> -> memref<2x64x256xf32, #tpu.memory_space<vmem_shared>>
      %dma_wait3A_111 = arith.constant 0 : i32
      %dma_wait3A_112 = arith.constant 0 : i32
      %dma_wait3A_113 = tpu.memref_slice %arg2[%add3A_104, %dma_wait3A_111, %dma_wait3A_112] : memref<4096x64x256xf32, #tpu.memory_space<hbm>> -> memref<2x64x256xf32, #tpu.memory_space<hbm>>
      tpu.wait_dma2 semaphore(%arg6 : memref<!tpu.dma_semaphore, #tpu.memory_space<semaphore_mem>>) src(%dma_wait3A_113 : memref<2x64x256xf32, #tpu.memory_space<hbm>>) dst(%dma_wait3A_110 : memref<2x64x256xf32, #tpu.memory_space<vmem_shared>>)
      %mul3A_114 = arith.constant 2 : i32
      %mul3A_115 = arith.muli %add3A_101, %mul3A_114 : i32
      %add3A_116 = arith.addi %mul3A_2, %mul3A_115 : i32
      %dma_start3A_117 = arith.constant 1 : i32
      %dma_start3A_118 = arith.constant 0 : i32
      %dma_start3A_119 = arith.constant 0 : i32
      %dma_start3A_120 = tpu.memref_slice %arg3[%add3A_116, %dma_start3A_118, %dma_start3A_119] : memref<4096x64x256xf32, #tpu.memory_space<hbm>> -> memref<2x64x256xf32, #tpu.memory_space<hbm>>
      %dma_start3A_121 = arith.constant 0 : i32
      %dma_start3A_122 = arith.constant 0 : i32
      %dma_start3A_123 = arith.constant 0 : i32
      %dma_start3A_124 = tpu.memref_slice %arg4[%dma_start3A_117, %arg1, %dma_start3A_121, %dma_start3A_122, %dma_start3A_123] : memref<2x16x2x64x256xf32, #tpu.memory_space<vmem_shared>> -> memref<1x1x2x64x256xf32, #tpu.memory_space<vmem_shared>>
      %dma_start3A_125 = tpu.memref_squeeze %dma_start3A_124 : memref<1x1x2x64x256xf32, #tpu.memory_space<vmem_shared>> -> memref<2x64x256xf32, #tpu.memory_space<vmem_shared>>
      tpu.enqueue_dma source(%dma_start3A_125 : memref<2x64x256xf32, #tpu.memory_space<vmem_shared>>) target(%dma_start3A_120 : memref<2x64x256xf32, #tpu.memory_space<hbm>>) target_semaphore(%arg8 : memref<!tpu.dma_semaphore, #tpu.memory_space<semaphore_mem>>)
      %scan3A_126 = arith.constant 0 : i32
      scf.yield %scan3A_126 : i32
    }
    %scan3A_8 = arith.constant 32 : i32
    %add3A_9 = arith.constant 124 : i32
    %add3A_10 = arith.addi %mul3A_2, %add3A_9 : i32
    %dma_wait3A = arith.constant 0 : i32
    %dma_wait3A_11 = arith.constant 0 : i32
    %dma_wait3A_12 = arith.constant 0 : i32
    %dma_wait3A_13 = tpu.memref_slice %arg3[%add3A_10, %dma_wait3A_11, %dma_wait3A_12] : memref<4096x64x256xf32, #tpu.memory_space<hbm>> -> memref<2x64x256xf32, #tpu.memory_space<hbm>>
    %dma_wait3A_14 = arith.constant 0 : i32
    %dma_wait3A_15 = arith.constant 0 : i32
    %dma_wait3A_16 = arith.constant 0 : i32
    %dma_wait3A_17 = tpu.memref_slice %arg4[%dma_wait3A, %arg1, %dma_wait3A_14, %dma_wait3A_15, %dma_wait3A_16] : memref<2x16x2x64x256xf32, #tpu.memory_space<vmem_shared>> -> memref<1x1x2x64x256xf32, #tpu.memory_space<vmem_shared>>
    %dma_wait3A_18 = tpu.memref_squeeze %dma_wait3A_17 : memref<1x1x2x64x256xf32, #tpu.memory_space<vmem_shared>> -> memref<2x64x256xf32, #tpu.memory_space<vmem_shared>>
    tpu.wait_dma2 semaphore(%arg7 : memref<!tpu.dma_semaphore, #tpu.memory_space<semaphore_mem>>) src(%dma_wait3A_18 : memref<2x64x256xf32, #tpu.memory_space<vmem_shared>>) dst(%dma_wait3A_13 : memref<2x64x256xf32, #tpu.memory_space<hbm>>)
    %add3A_19 = arith.constant 126 : i32
    %add3A_20 = arith.addi %mul3A_2, %add3A_19 : i32
    %dma_wait3A_21 = arith.constant 1 : i32
    %dma_wait3A_22 = arith.constant 0 : i32
    %dma_wait3A_23 = arith.constant 0 : i32
    %dma_wait3A_24 = tpu.memref_slice %arg3[%add3A_20, %dma_wait3A_22, %dma_wait3A_23] : memref<4096x64x256xf32, #tpu.memory_space<hbm>> -> memref<2x64x256xf32, #tpu.memory_space<hbm>>
    %dma_wait3A_25 = arith.constant 0 : i32
    %dma_wait3A_26 = arith.constant 0 : i32
    %dma_wait3A_27 = arith.constant 0 : i32
    %dma_wait3A_28 = tpu.memref_slice %arg4[%dma_wait3A_21, %arg1, %dma_wait3A_25, %dma_wait3A_26, %dma_wait3A_27] : memref<2x16x2x64x256xf32, #tpu.memory_space<vmem_shared>> -> memref<1x1x2x64x256xf32, #tpu.memory_space<vmem_shared>>
    %dma_wait3A_29 = tpu.memref_squeeze %dma_wait3A_28 : memref<1x1x2x64x256xf32, #tpu.memory_space<vmem_shared>> -> memref<2x64x256xf32, #tpu.memory_space<vmem_shared>>
    tpu.wait_dma2 semaphore(%arg8 : memref<!tpu.dma_semaphore, #tpu.memory_space<semaphore_mem>>) src(%dma_wait3A_29 : memref<2x64x256xf32, #tpu.memory_space<vmem_shared>>) dst(%dma_wait3A_24 : memref<2x64x256xf32, #tpu.memory_space<hbm>>)
    return
  }
}

</mosaic_0001>

<sc_bundles>
// kernel: kernel.3.cloned.1.call-start
scs
__scs_entry_jumppad:
0x0: {  	(pc) =	sbr.rel $0x88, $3  }
0x1: {  	(tag) =	ssettag $0x0;
	lr =	simm.s32 $0x1  }
0x2: {  	[smem:$0x3FA0] =	sst lr;
	_ =	strace $0xD0000000  }
0x3: {  	_ = 	snop  }
0x4: {  	_ = 	snop  }
0x5: {  	_ = 	snop  }
0x6: {  	_ = 	snop  }
0x7: {  	_ = 	snop  }
__scs_overlays_trampoline_lowered:
0x8: {  	[smem:$0x3FAF] =	sst s0  }
0x9: {  	[smem:$0x3FB0] =	sst s1  }
0xa: {  	[smem:$0x3FB1] =	sst s2  }
0xb: {  	[smem:$0x3FB2] =	sst s3  }
0xc: {  	[smem:$0x3FB3] =	sst s4  }
0xd: {  	[smem:$0x3FB4] =	sst s5  }
0xe: {  	[smem:$0x3FB5] =	sst s6  }
0xf: {  	[smem:$0x3FB6] =	sst s7  }
0x10: {  	[smem:$0x3FB7] =	sst s8  }
0x11: {  	[smem:$0x3FB8] =	sst s9;
	s0 =	simm.s32 @!p0 $0x0  }
0x12: {  	s1 =	sld [smem:$0x3F9E];
	s0 =	simm.s32 @p0 $0x1  }
0x13: {  	[smem:$0x3FB9] =	sst s0;
	s0 =	simm.s32 @!p1 $0x0  }
0x14: {  	s2 =	sld [smem:$0x3F9D];
	s0 =	simm.s32 @p1 $0x1  }
0x15: {  	[smem:$0x3FBA] =	sst s0;
	s0 =	simm.s32 @!p2 $0x0  }
0x16: {  	s3 =	sld [smem:$0x3FDB];
	s0 =	simm.s32 @p2 $0x1  }
0x17: {  	s4 =	simm.s32 $0x1BF5;
	[smem:$0x3FBC] =	sst s0  }
0x18: {  	s0 =	sld [smem:$0x3F9F];
	_ =	swait.ge [sflag:s4], $0x0  }
0x19: {  	s7 =	sld [smem:$0x3FA0]  }
0x1a: {  	s8 =	sadd.s32 $0xFFFFE003, lr  }
0x1b: {  	s9 =	sadd.s32 $0xFFFFFEF7, lr;
	s5 =	simm.s32 $0xFFFFFFFF;
	p2 =	slt.u32 s8, $0xFFFFF086  }
0x1c: {  	p1 =	slt.u32 s9, $0xF7A;
	s5 =	simm.s32 @!p2 $0x0  }
0x1d: {  	s5 =	simm.s32 @p1 $0x1;
	p0 =	seq.s32 s7, s2  }
0x1e: {  	s7 =	smul.u32 @!p0 $0xF7A, s2;
	p2 =	seq.s32 @!p0 s5, $0x0  }
0x1f: {  	s9 =	smul.u32 $0xF7A, s1;
	s8 =	simm.s32 @!p0 $0x1BF5;
	p2 =	por !p2, p0  }
0x20: {  	[sflag:s8] =	ssyncset.s32 @!p0 $0xFFFFF086;
	s6 =	sadd.s32 @!p0 s3, s7;
	s7 =	simm.s32 @!p0 $0x108  }
0x21: {  	s3 =	sadd.s32 s3, s9;
	s6 =	sadd.s32 @!p0 $0x88, s6;
	s7 =	simm.s32 @p2 $0x1082  }
0x22: {  	[simem:s7], [sflag:s8] =	dma.local @!p0 [hbm:s6], $0xF7A  }
0x23: {  	s9 =	sor.u32 $0xD0000000, s2;
	s6 =	simm.s32 $0x108;
	_ =	swait.ge @!p0 [sflag:s8], $0x0  }
0x24: {  	s3 =	sadd.s32 $0x88, s3;
	s6 =	simm.s32 @!p1 $0x1082;
	[sflag:s4] =	ssyncset.s32 $0xFFFFF086  }
0x25: {  	[simem:s6], [sflag:s4] =	dma.local [hbm:s3], $0xF7A  }
0x26: {  	[smem:$0x3FA0] =	sst s1;
	(tag) =	ssettag s2;
	_ =	strace s9  }
0x27: {  	s1 =	sld [smem:$0x3FB0]  }
0x28: {  	s2 =	sld [smem:$0x3FB1]  }
0x29: {  	s4 =	sld [smem:$0x3FB3]  }
0x2a: {  	p0 =	seq.s32 s5, $0x0;
	s5 =	sld [smem:$0x3FB4]  }
0x2b: {  	s6 =	sld [smem:$0x3FB5]  }
0x2c: {  	s7 =	sld [smem:$0x3FB6]  }
0x2d: {  	s3 =	simm.s32 $0x108;
	s8 =	sld [smem:$0x3FB7]  }
0x2e: {  	s3 =	simm.s32 @!p0 $0x1082;
	s9 =	sld [smem:$0x3FB8]  }
0x2f: {  	lr =	sadd.s32 s0, s3;
	s0 =	sld [smem:$0x3FAF]  }
0x30: {  	s3 =	sld [smem:$0x3FB2]  }
0x31: {  	[smem:$0x3FBB] =	sst s10  }
0x32: {  	s10 =	sld [smem:$0x3FB9];
	_ =	sdelay $0x3  }
0x33: {  	p0 =	seq.s32 s10, $0x1;
	s10 =	sld [smem:$0x3FBB];
	_ =	sdelay $0x3  }
0x34: {  	[smem:$0x3FBB] =	sst s10  }
0x35: {  	s10 =	sld [smem:$0x3FBA];
	_ =	sdelay $0x3  }
0x36: {  	p1 =	seq.s32 s10, $0x1;
	s10 =	sld [smem:$0x3FBB];
	_ =	sdelay $0x3  }
0x37: {  	[smem:$0x3FBB] =	sst s10  }
0x38: {  	s10 =	sld [smem:$0x3FBC]  }
0x39: {  	_ = 	snop;
	(pc) =	sbr.ind lr, $3  }
0x3a: {  	_ = 	snop  }
0x3b: {  	_ = 	snop  }
0x3c: {  	p2 =	seq.s32 s10, $0x1;
	s10 =	sld [smem:$0x3FBB]  }
0x3d: {  	_ =	shalt  }
0x3e: {  	_ =	shalt  }
0x3f: {  	_ =	shalt  }
0x40: {  	_ =	shalt  }
0x41: {  	_ =	shalt  }
0x42: {  	_ =	shalt  }
0x43: {  	_ =	shalt  }
0x44: {  	_ =	shalt  }
0x45: {  	_ =	shalt  }
0x46: {  	_ =	shalt  }
0x47: {  	_ =	shalt  }
0x48: {  	_ =	shalt  }
0x49: {  	_ =	shalt  }
0x4a: {  	_ =	shalt  }
0x4b: {  	_ =	shalt  }
0x4c: {  	_ =	shalt  }
0x4d: {  	_ =	shalt  }
0x4e: {  	_ =	shalt  }
0x4f: {  	_ =	shalt  }
0x50: {  	_ =	shalt  }
0x51: {  	_ =	shalt  }
0x52: {  	_ =	shalt  }
0x53: {  	_ =	shalt  }
0x54: {  	_ =	shalt  }
0x55: {  	_ =	shalt  }
0x56: {  	_ =	shalt  }
0x57: {  	_ =	shalt  }
0x58: {  	_ =	shalt  }
0x59: {  	_ =	shalt  }
0x5a: {  	_ =	shalt  }
0x5b: {  	_ =	shalt  }
0x5c: {  	_ =	shalt  }
0x5d: {  	_ =	shalt  }
0x5e: {  	_ =	shalt  }
0x5f: {  	_ =	shalt  }
0x60: {  	_ =	shalt  }
0x61: {  	_ =	shalt  }
0x62: {  	_ =	shalt  }
0x63: {  	_ =	shalt  }
0x64: {  	_ =	shalt  }
0x65: {  	_ =	shalt  }
0x66: {  	_ =	shalt  }
0x67: {  	_ =	shalt  }
0x68: {  	_ =	shalt  }
0x69: {  	_ =	shalt  }
0x6a: {  	_ =	shalt  }
0x6b: {  	_ =	shalt  }
0x6c: {  	_ =	shalt  }
0x6d: {  	_ =	shalt  }
0x6e: {  	_ =	shalt  }
0x6f: {  	_ =	shalt  }
0x70: {  	_ =	shalt  }
0x71: {  	_ =	shalt  }
0x72: {  	_ =	shalt  }
0x73: {  	_ =	shalt  }
0x74: {  	_ =	shalt  }
0x75: {  	_ =	shalt  }
0x76: {  	_ =	shalt  }
0x77: {  	_ =	shalt  }
0x78: {  	_ =	shalt  }
0x79: {  	_ =	shalt  }
0x7a: {  	_ =	shalt  }
0x7b: {  	_ =	shalt  }
0x7c: {  	_ =	shalt  }
0x7d: {  	_ =	shalt  }
0x7e: {  	_ =	shalt  }
0x7f: {  	_ =	shalt  }
0x80: {  	_ =	shalt  }
0x81: {  	_ =	shalt  }
0x82: {  	_ =	shalt  }
0x83: {  	_ =	shalt  }
0x84: {  	_ =	shalt  }
0x85: {  	_ =	shalt  }
0x86: {  	_ =	shalt  }
0x87: {  	_ =	shalt  }
.Lfunc_end0:
.L_simem_size_0:
called_computation_lowered:
.L_overlay_start_0:
0x88: {  	s2 =	sld [smem:$0x3FD9]  }
0x89: {  	s3 =	sld [smem:$0x3FFE];
	_ =	sdelay $0x1  }
0x8a: {  	s1 =	srdreg.scid  }
0x8b: {  	s0 =	sand.u32 $0x1, s1  }
0x8c: {  	s18 =	sshll.u32 s0, $0xA;
	s2 =	sadd.s32 s3, s2  }
0x8d: {  	s2 =	sadd.s32 s2, s18  }
0x8e: {  	[smem:$0x3FC7] =	sst s2  }
0x8f: {  	_ = 	snop  }
0x90: {  	s2 =	sld [smem:$0x3FC9]  }
0x91: {  	s19 =	sld [smem:$0x3FD0];
	(tm) =	ssettm $0x1  }
0x92: {  	s4 =	sld [smem:$0x3FFB];
	_ =	sdelay $0x3  }
0x93: {  	_ =	strace s4  }
0x94: {  	s4 =	sld [smem:$0x3FFC];
	_ =	sdelay $0x3  }
0x95: {  	_ =	strace s4  }
0x96: {  	s4 =	sld [smem:$0x3FFD];
	_ =	sdelay $0x3  }
0x97: {  	_ =	strace s4  }
0x98: {  	_ =	strace $0x8FFFFFFF  }
0x99: {  	s20 =	sld [smem:$0x3FDB];
	_ =	sdelay $0x1  }
0x9a: {  	s5 =	simm.s32 $_scs_section_size  }
0x9b: {  	s6 =	simm.s32 $_size__tile_overlayer_lowered;
	s7 =	simm.s32 $_tile_overlayer_lowered  }
0x9c: {  	s23 =	simm.s32 $0x1BFF;
	s22 =	sshll.u32 s7, $0x1;
	s4 =	sadd.s32 s5, s20  }
0x9d: {  	s8 =	simm.s32 $0x0;
	s21 =	sshll.u32 s6, $0x1;
	s6 =	sadd.s32 s22, s4  }
0x9e: {  	[timem:s8], [sflag:s23] =	dma.local [hbm:s6], s21  }
0x9f: {  	_ =	swait.ge [sflag:s23], s21  }
0xa0: {  	s5 =	ssub.s32 $0x0, s21;
	[sflag:s23] =	ssyncset.done $0x0  }
0xa1: {  	[sflag:s23] =	ssyncadd.s32 s5;
	_ =	sdelay $0x1  }
0xa2: {  	s24 =	simm.s32 $0x1B8B  }
0xa3: {  	_ =	swait.ge [sflag:s24], $0x1  }
0xa4: {  	[sflag:s24] =	ssyncset.done $0x0  }
0xa5: {  	s25 =	simm.s32 $0x1B8E;
	[sflag:s24] =	ssyncadd.s32 $0xFFFFFFFF  }
0xa6: {  	s26 =	simm.s32 $execute0_lowered;
	[smem:$0x3FD2] =	sst s25  }
0xa7: {  	s5 =	sshll.u32 s26, $0x1;
	_ =	strace $0x80000046;
	[dreg:$0x1] =	wrdreg $0xFFFFFFFF  }
0xa8: {  	s28 =	simm.s32 $_size_execute0_lowered;
	s4 =	sadd.s32 s4, s5;
	[dreg:$0x0] =	wrdreg $0x0  }
0xa9: {  	s5 =	sshll.u32 s28, $0x1;
	[dreg:$0x2] =	wrdreg s4  }
0xaa: {  	[dreg:$0x3] =	wrdreg s5  }
0xab: {  	[dreg:$0x4] =	wrdreg $0xC0  }
0xac: {  	_ =	task [dreg:s8], $0x5FFFF  }
0xad: {  	[dreg:$0x1] =	wrdreg $0xFFFFFFFF  }
0xae: {  	[dreg:$0x0] =	wrdreg $0x60  }
0xaf: {  	[dreg:$0x2] =	wrdreg s2  }
0xb0: {  	[dreg:$0x3] =	wrdreg s19  }
0xb1: {  	[dreg:$0x4] =	wrdreg $0x0  }
0xb2: {  	[dreg:$0x5] =	wrdreg $0x9  }
0xb3: {  	_ =	task.clear_ibuf [dreg:s8], $0x6FFFF;
	_ =	strace $0x90000046  }
0xb4: {  	s29 =	simm.s32 $0x9;
	_ =	strace $0x80000048  }
0xb5: {  	_ =	swait.ge [sflag:s29], $0x1  }
0xb6: {  	[sflag:s29] =	ssyncadd.s32 $0xFFFFFFFF  }
0xb7: {  	_ =	strace $0x90000048  }
0xb8: {  	_ =	sfence  }
0xb9: {  	s30 =	sld [smem:$0x0];
	_ =	sdelay $0x2  }
0xba: {  	s31 =	sshll.u32 s1, $0xD;
	s1 =	sshrl.u32 s1, $0x2  }
0xbb: {  	s3 =	sand.u32 $0x4000, s31;
	s1 =	sadd.s32 s1, s30  }
0xbc: {  	s0 =	sor.u32 s3, s0;
	s1 =	sshll.u32 s1, $0x11  }
0xbd: {  	s0 =	sor.u32 s1, s0  }
0xbe: {  	s0 =	sadd.s32 $0x8F2B, s0  }
0xbf: {  	[sflag:s0] =	ssyncadd.remote.s32 $0x1  }
0xc0: {  	_ =	sfence.sel $0xFFFF  }
0xc1: {  	[dreg:$0x0] =	wrdreg $0xFFFFFFFF;
	(pc) =	sbr.abs _section_cstart, $3  }
0xc2: {  	[dreg:$0x1] =	wrdreg $0xFFFFFFFF  }
0xc3: {  	_ =	task.clear_ibuf [dreg:s8], $0x2FFFF;
	_ =	strace $0x9FFFFFFF  }
0xc4: {  	(tm) =	ssettm $0x7FFFFFFF  }
0xc5: {  	_ =	shalt  }
tec
execute0_lowered:
.L_overlay_start_1:
0x0: {  	(tag) =	ssettag $0x1  }
0x1: {  	s8 =	rddreg [dreg:$0x0]  }
0x2: {  	s9 =	rddreg [dreg:$0x1]  }
0x3: {  	s3 =	rddreg [dreg:$0x2];
	s1 =	srdreg.scid  }
0x4: {  	s0 =	rddreg [dreg:$0x3];
	s2 =	simm.s32 $0x0;
	s16 =	simm.s32 $0x2  }
0x5: {  	s18 =	simm.s32 $0x3;
	s19 =	simm.s32 $0x4;
	s4 =	sand.u32 $0x1, s1  }
0x6: {  	[smem:$0x7FF] =	sst s2;
	s1 =	stileid.u32;
	s5 =	ssub.s32 $0x2, s4  }
0x7: {  	_ =	strace $0x80000047;
	s7 =	sshll.u32 s1, $0xF;
	s10 =	sshll.u32 s1, $0x13  }
0x8: {  	s11 =	sshll.u32 s4, $0x12;
	s17 =	sshll.u32 s1, $0x6;
	s6 =	sshrl.u32 s5, $0x1  }
0x9: {  	s12 =	sadd.s32 s7, s3;
	s31 =	sor.u32 s11, s10;
	s15 =	sadd.s32 s10, s8  }
0xa: {  	s10 =	sadd.s32 s10, s9;
	s30 =	ssub.s32 s5, s6;
	s13 =	sadd.s32 $0x80000, s12  }
0xb: {  	s14 =	sor.u32 $0x1000, s31;
	s4 =	sadd.s32 s8, s31;
	s5 =	sor.u32 $0x1C01, s17  }
0xc: {  	s7 =	sadd.s32 s9, s31;
	s10 =	sadd.s32 s11, s10;
	s3 =	smax.u32 s30, $0x1  }
0xd: {  	s6 =	sadd.s32 s8, s14;
	s8 =	sadd.s32 s9, s14;
	s9 =	sadd.s32 s11, s15  }
0xe: {  	s11 =	sshrl.u32 s12, $0x3;
	s12 =	sor.u32 $0x1C02, s17;
	s13 =	sshrl.u32 s13, $0x3  }
0xf: {  	s14 =	simm.s32 $0x1;
	s15 =	sor.u32 $0x1C03, s17;
	s17 =	sor.u32 $0x1C04, s17  }
.LBB2_1:
0x10: {  	[spmem:s11], [sflag:s5] =	dma.local [hbm:s4], $0x1000  }
0x11: {  	[spmem:s13], [sflag:s12] =	dma.local [hbm:s6], $0x1000  }
0x12: {  	_ =	swait.ge [sflag:s14], $0x1000  }
0x13: {  	[sflag:s14] =	ssyncset.done $0x0  }
0x14: {  	[sflag:s14] =	ssyncadd.s32 $0xFFFFF000  }
0x15: {  	[hbm:s7], [sflag:s15] =	dma.local [spmem:s11], $0x1000  }
0x16: {  	_ =	swait.ge [sflag:s16], $0x1000  }
0x17: {  	[sflag:s16] =	ssyncset.done $0x0  }
0x18: {  	[sflag:s16] =	ssyncadd.s32 $0xFFFFF000  }
0x19: {  	[hbm:s8], [sflag:s17] =	dma.local [spmem:s13], $0x1000  }
0x1a: {  	_ =	swait.ge [sflag:s18], $0x1000  }
0x1b: {  	s20 =	sadd.s32 $0x0, s9;
	[sflag:s18] =	ssyncset.done $0x0  }
0x1c: {  	s21 =	sadd.s32 $0x2000, s20;
	[sflag:s18] =	ssyncadd.s32 $0xFFFFF000  }
0x1d: {  	[spmem:s11], [sflag:s5] =	dma.local [hbm:s21], $0x1000  }
0x1e: {  	_ =	swait.ge [sflag:s19], $0x1000  }
0x1f: {  	[sflag:s19] =	ssyncset.done $0x0  }
0x20: {  	s20 =	sadd.s32 $0x3000, s20;
	[sflag:s19] =	ssyncadd.s32 $0xFFFFF000  }
0x21: {  	[spmem:s13], [sflag:s12] =	dma.local [hbm:s20], $0x1000  }
0x22: {  	_ =	swait.ge [sflag:s14], $0x1000  }
0x23: {  	s30 =	sadd.s32 $0x0, s10;
	[sflag:s14] =	ssyncset.done $0x0  }
0x24: {  	s31 =	sadd.s32 $0x2000, s30;
	[sflag:s14] =	ssyncadd.s32 $0xFFFFF000  }
0x25: {  	[hbm:s31], [sflag:s15] =	dma.local [spmem:s11], $0x1000  }
0x26: {  	_ =	swait.ge [sflag:s16], $0x1000  }
0x27: {  	[sflag:s16] =	ssyncset.done $0x0  }
0x28: {  	s21 =	sadd.s32 $0x3000, s30;
	s20 =	simm.s32 $0x2000;
	[sflag:s16] =	ssyncadd.s32 $0xFFFFF000  }
.LBB2_2:
0x29: {  	[hbm:s21], [sflag:s17] =	dma.local [spmem:s13], $0x1000  }
0x2a: {  	s21 =	smov.u32 s20  }
0x2b: {  	p0 =	sne.s32 s20, $0x3C000;
	s20 =	sadd.s32 $0x2000, s20;
	_ =	swait.ge [sflag:s18], $0x1000  }
0x2c: {  	s22 =	sadd.s32 s21, s9;
	[sflag:s18] =	ssyncset.done $0x0  }
0x2d: {  	s23 =	sadd.s32 $0x2000, s22;
	[sflag:s18] =	ssyncadd.s32 $0xFFFFF000  }
0x2e: {  	[spmem:s11], [sflag:s5] =	dma.local [hbm:s23], $0x1000  }
0x2f: {  	_ =	swait.ge [sflag:s19], $0x1000  }
0x30: {  	[sflag:s19] =	ssyncset.done $0x0  }
0x31: {  	s22 =	sadd.s32 $0x3000, s22;
	[sflag:s19] =	ssyncadd.s32 $0xFFFFF000  }
0x32: {  	[spmem:s13], [sflag:s12] =	dma.local [hbm:s22], $0x1000  }
0x33: {  	_ =	swait.ge [sflag:s14], $0x1000  }
0x34: {  	s21 =	sadd.s32 s21, s10;
	[sflag:s14] =	ssyncset.done $0x0  }
.Ltmp0:
0x35: {  	s22 =	sadd.s32 $0x2000, s21;
	[sflag:s14] =	ssyncadd.s32 $0xFFFFF000;
	(pc) =	sbr.rel @p0 .LBB2_2-.Ltmp0, $4  }
0x36: {  	[hbm:s22], [sflag:s15] =	dma.local [spmem:s11], $0x1000  }
0x37: {  	_ =	swait.ge [sflag:s16], $0x1000  }
0x38: {  	[sflag:s16] =	ssyncset.done $0x0  }
0x39: {  	s21 =	sadd.s32 $0x3000, s21;
	[sflag:s16] =	ssyncadd.s32 $0xFFFFF000  }
0x3a: {  	[hbm:s21], [sflag:s17] =	dma.local [spmem:s13], $0x1000  }
0x3b: {  	s2 =	sadd.s32 $0x1, s2  }
0x3c: {  	_ =	swait.ge [sflag:s18], $0x1000;
	p0 =	sne.s32 s2, s3  }
.Ltmp1:
0x3d: {  	[sflag:s18] =	ssyncset.done $0x0;
	(pc) =	sbr.rel @p0 .LBB2_1-.Ltmp1, $4  }
0x3e: {  	[sflag:s18] =	ssyncadd.s32 $0xFFFFF000  }
0x3f: {  	_ =	swait.ge [sflag:s19], $0x1000  }
0x40: {  	[sflag:s19] =	ssyncset.done $0x0  }
0x41: {  	[sflag:s19] =	ssyncadd.s32 $0xFFFFF000  }
0x42: {  	_ =	sfence.sel $0x180000  }
0x43: {  	[bflag:$0x0] =	sbarrier.arrive $0xFFFF  }
0x44: {  	p0 =	sne.s32 s1, $0x0;
	_ =	strace $0x90000047  }
0x45: {  	s0 =	sadd.s32 @!p0 $0x100000, s0;
	[bflag:$0x2] =	sbarrier.arrive $0xFFFF  }
0x46: {  	[sflag:s0] =	ssyncadd.tile.s32 @!p0 $0x1;
	_ =	shalt  }
.Lfunc_end2:
_tile_overlayer_lowered:
.L_overlay_start_2:
0x47: {  	(tag) =	ssettag $0x2  }
0x48: {  	s0 =	rddreg [dreg:$0x0];
	s2 =	stileid.u32  }
0x49: {  	s1 =	rddreg [dreg:$0x1];
	p0 =	sne.s32 s2, $0x0  }
0x4a: {  	s3 =	rddreg [dreg:$0x2];
	[bflag:$0x3] =	sbarrier.arrive $0xFFFF;
	s2 =	simm.s32 @!p0 $0x1C05  }
0x4b: {  	[timem:s3], [sflag:s2] =	dma.local @!p0 [hbm:s0], s1  }
0x4c: {  	s0 =	simm.s32 @!p0 $0x5  }
0x4d: {  	_ =	swait.ge @!p0 [sflag:s0], s1  }
0x4e: {  	s1 =	ssub.s32 @!p0 $0x0, s1;
	[sflag:s0] =	ssyncset.done @!p0 $0x0  }
0x4f: {  	[sflag:s0] =	ssyncadd.s32 @!p0 s1  }
0x50: {  	[bflag:$0x3] =	sbarrier.arrive $0xFFFF  }
0x51: {  	_ =	shalt  }

</sc_bundles>
